<compile_context>
chip_gen: v7x
topology: tpu7x:2x2x1
jax: 0.10.2.dev20260603
libtpu: 0.0.44.dev20260713+nightly
codegen_flags: <defaults>
</compile_context>

<pallas_src>
import functools

import jax
import jax.numpy as jnp
from jax import lax
from jax.experimental import pallas as pl
from jax.experimental.pallas import tpu as pltpu
from jax.experimental.pallas import tpu_sc as plsc

GAMMA = 10.0
N, K, NF = 10000, 16, 300
LOG2E = 1.4426950408889634
SQG = 3.798282560433022
C0 = 0.5287663729448977
EPS2 = 1e-12 * SQG * SQG

NC, NS = 2, 16
NW = NC * NS
BN = 400
NBLK = N // BN
EB = BN * K


def _sc_dist(xyz, idx):
    mesh = plsc.VectorSubcoreMesh(core_axis_name="c", subcore_axis_name="s")

    @functools.partial(
        pl.kernel,
        mesh=mesh,
        out_type=jax.ShapeDtypeStruct((NBLK, 1, EB), jnp.float32),
        scratch_types=[
            pltpu.VMEM((N,), jnp.float32),
            pltpu.VMEM((N,), jnp.float32),
            pltpu.VMEM((N,), jnp.float32),
            pltpu.VMEM((EB,), jnp.int32),
            pltpu.VMEM((EB,), jnp.float32),
        ],
        compiler_params=pltpu.CompilerParams(use_tc_tiling_on_sc=False,
                                             needs_layout_passes=False),
    )
    def k(x_hbm, idx_hbm, out_hbm, xv, yv, zv, idx_v, d_v):
        wid = lax.axis_index("s") * NC + lax.axis_index("c")

        @pl.when(wid < NBLK)
        def _():
            pltpu.sync_copy(x_hbm.at[0], xv)
            pltpu.sync_copy(x_hbm.at[1], yv)
            pltpu.sync_copy(x_hbm.at[2], zv)
            pltpu.sync_copy(idx_hbm.at[pl.ds(wid * EB, EB)], idx_v)
            node0 = wid * BN
            lanes = lax.iota(jnp.int32, K)

            def body(g, carry):
                nbr = idx_v[pl.ds(g * K, K)]
                n = jnp.broadcast_to(node0 + g, (K,)).astype(jnp.int32)
                dx = plsc.load_gather(xv, [nbr]) - plsc.load_gather(xv, [n])
                dy = plsc.load_gather(yv, [nbr]) - plsc.load_gather(yv, [n])
                dz = plsc.load_gather(zv, [nbr]) - plsc.load_gather(zv, [n])
                s2 = dx * dx + dy * dy + dz * dz + EPS2
                y = plsc.bitcast(
                    jnp.int32(0x5F3759DF)
                    - lax.shift_right_arithmetic(plsc.bitcast(s2, jnp.int32),
                                                 1), jnp.float32)
                hx = 0.5 * s2
                for _ in range(4):
                    y = y * (1.5 - hx * y * y)
                pos = lanes * BN + g
                plsc.store_scatter(d_v, [pos], s2 * y)
                return carry

            lax.fori_loop(0, BN, body, 0)
            pltpu.sync_copy(d_v, out_hbm.at[wid, 0])

    return k(xyz, idx)


def _tc_body(x_ref, d_ref, cen_ref,
             wp_ref, bp_ref, w1_ref, b1_ref, w2_ref, b2_ref,
             w3_ref, b3_ref, w4_ref, b4_ref, out_ref, *, bn):
    def g_act(v):
        return jnp.log2(jnp.exp2(v) + 0.5)

    x = x_ref[...]
    u = jnp.transpose(d_ref[0])
    b3 = b3_ref[...] * LOG2E - 1.0
    w1e = jnp.concatenate(
        [w1_ref[...], jnp.zeros((NF, 1), jnp.float32)], axis=1)
    b1e = jnp.concatenate(
        [b1_ref[...] * LOG2E - 1.0,
         jnp.full((1, 1), 0.5849625007211562, jnp.float32)], axis=1)
    w2e = jnp.concatenate(
        [w2_ref[...], b2_ref[...] * LOG2E - 1.0], axis=0)
    w = u - cen_ref[...]
    rbf = jnp.exp2(C0 - w * w)
    g1 = g_act(jnp.dot(rbf, w1e,
                       preferred_element_type=jnp.float32) + b1e)
    g2 = g_act(jnp.dot(g1, w2e,
                       preferred_element_type=jnp.float32))
    s = jnp.sum(g2.reshape(K, bn, NF), axis=0)
    pre = jnp.dot(x, wp_ref[...],
                  preferred_element_type=jnp.float32) + bp_ref[...]
    msg = pre * s
    g3 = jnp.log(jnp.exp2(jnp.dot(msg, w3_ref[...],
                                  preferred_element_type=jnp.float32) + b3)
                 + 0.5)
    post = jnp.dot(g3, w4_ref[...], preferred_element_type=jnp.float32)
    out_ref[...] = x + post + b4_ref[...]


def _tc_main(x, d, cen, wp, bp, w1, b1, w2, b2, w3, b3, w4, b4):
    full = lambda i: (0, 0)
    return pl.pallas_call(
        functools.partial(_tc_body, bn=BN),
        grid=(NBLK,),
        in_specs=[
            pl.BlockSpec((BN, NF), lambda i: (i, 0)),
            pl.BlockSpec((1, 1, EB), lambda i: (i, 0, 0)),
            pl.BlockSpec((1, NF), full),
            pl.BlockSpec((NF, NF), full),
            pl.BlockSpec((1, NF), full),
            pl.BlockSpec((NF, NF), full),
            pl.BlockSpec((1, NF), full),
            pl.BlockSpec((NF, NF), full),
            pl.BlockSpec((1, NF), full),
            pl.BlockSpec((NF, NF), full),
            pl.BlockSpec((1, NF), full),
            pl.BlockSpec((NF, NF), full),
            pl.BlockSpec((1, NF), full),
        ],
        out_specs=pl.BlockSpec((BN, NF), lambda i: (i, 0)),
        out_shape=jax.ShapeDtypeStruct((N, NF), jnp.float32),
        compiler_params=pltpu.CompilerParams(
            dimension_semantics=("arbitrary",)),
    )(x, d, cen, wp, bp, w1, b1, w2, b2, w3, b3, w4, b4)


def kernel(x, xyz, nbr_idx, W_pre, b_pre, W1, b1, W2, b2, W3, b3, W4, b4):
    idx = nbr_idx.astype(jnp.int32).reshape(-1)
    xcols = xyz.astype(jnp.float32).T * SQG
    d = _sc_dist(xcols, idx)
    cen = (jnp.linspace(0.1, 30.1, NF).astype(jnp.float32)
           * SQG).reshape(1, NF)
    return _tc_main(x, d, cen,
                    W_pre, b_pre.reshape(1, NF),
                    W1, b1.reshape(1, NF), W2, b2.reshape(1, NF),
                    W3, b3.reshape(1, NF), W4, b4.reshape(1, NF))

# --- scband reference (transcript-rebuilt; emitter-appended) ---
"""Pipeline reference for scband-sch-net-layer-10050223473305 (READ-ONLY COPY).

The authoritative reference and input builder live on the scoring server;
editing this copy changes nothing except your own understanding.
"""

import jax, jax.numpy as jnp
import numpy as np

GAMMA = 10.0
N, K, NF = 10000, 16, 300


def ssp(v):
    # shifted softplus: log(0.5*exp(x) + 0.5) = softplus(x) - log(2)
    return jax.nn.softplus(v) - jnp.log(2.0)


def setup_inputs(seed: int = 0) -> dict:
    key = jax.random.key(seed)
    ks = jax.random.split(key, 8)
    x = jax.random.normal(ks[0], (N, NF), dtype=jnp.float32)
    xyz = jax.random.uniform(ks[1], (N, 3), dtype=jnp.float32) * 30.0
    nbr_idx = jax.random.randint(ks[2], (N, K), 0, N)
    s = 1.0 / np.sqrt(NF)

    def lin(k):
        kw, kb = jax.random.split(k)
        W = jax.random.uniform(kw, (NF, NF), jnp.float32, -s, s)
        b = jax.random.uniform(kb, (NF,), jnp.float32, -s, s)
        return W, b

    W_pre, b_pre = lin(ks[3])
    W1, b1 = lin(ks[4])
    W2, b2 = lin(ks[5])
    W3, b3 = lin(ks[6])
    W4, b4 = lin(ks[7])
    return {"x": x, "xyz": xyz, "nbr_idx": nbr_idx,
            "W_pre": W_pre, "b_pre": b_pre,
            "W1": W1, "b1": b1, "W2": W2, "b2": b2,
            "W3": W3, "b3": b3, "W4": W4, "b4": b4}


def reference(x, xyz, nbr_idx, W_pre, b_pre, W1, b1, W2, b2, W3, b3, W4, b4):
    rbf_centers = jnp.linspace(0.1, 30.1, 300).astype(jnp.float32)
    # pre_conv on atomic features
    pre = x @ W_pre + b_pre                              # [N, NF]
    # Verlet-list gather of source positions (vl.query_src)
    src_xyz = xyz[nbr_idx]                               # [N, K, 3]
    diff = src_xyz - xyz[:, None, :]                     # [N, K, 3]
    d_ij = jnp.sqrt(jnp.sum(diff * diff, axis=2, keepdims=True) + 1e-12)  # [N, K, 1]
    # radial basis expansion
    rbf = jnp.exp(-GAMMA * (d_ij - rbf_centers.reshape(1, 1, -1)) ** 2)   # [N, K, NF]
    # cfconv filter network
    h = ssp(rbf @ W1 + b1)
    conv_out = ssp(h @ W2 + b2)                          # [N, K, NF]
    # continuous-filter convolution: filter * gated features, summed over neighbors
    msg = jnp.sum(conv_out * pre[:, None, :], axis=1)    # [N, NF]
    # post_conv + residual
    post = ssp(msg @ W3 + b3) @ W4 + b4
    return x + post

if __name__ == "__main__":
    import jax
    _d = setup_inputs()
    print(jax.jit(kernel)(*tuple(_d.values())))

</pallas_src>

<mosaic_0001>
#map = affine_map<(d0, d1) -> (0, 0)>
#map1 = affine_map<(d0, d1) -> (0)>
#map2 = affine_map<(d0, d1) -> (0, 0, 0)>
module attributes {stable_mosaic.version = 14 : i64} {
  func.func @k(%arg0: i32, %arg1: i32, %arg2: memref<3x10000xf32, #tpu.memory_space<hbm>>, %arg3: memref<160000xi32, #tpu.memory_space<hbm>>, %arg4: memref<25x1x6400xf32, #tpu.memory_space<hbm>>, %arg5: memref<10000xf32, #tpu.memory_space<vmem>>, %arg6: memref<10000xf32, #tpu.memory_space<vmem>>, %arg7: memref<10000xf32, #tpu.memory_space<vmem>>, %arg8: memref<6400xi32, #tpu.memory_space<vmem>>, %arg9: memref<6400xf32, #tpu.memory_space<vmem>>) attributes {dimension_semantics = [#tpu.dimension_semantics<core_parallel>, #tpu.dimension_semantics<subcore_parallel>], iteration_bounds = array<i64: 2, 16>, scalar_prefetch = 0 : i64, scratch_operands = 5 : i64, tpu.core_type = #tpu.core_type<sc_vector_subcore>, window_params = [{transform_indices = #map}, {transform_indices = #map1}, {transform_indices = #map2}]} {
    %mul3A = arith.constant 2 : i32
    %mul3A_0 = arith.muli %arg1, %mul3A : i32
    %add3A = arith.addi %mul3A_0, %arg0 : i32
    %lt3A = arith.constant 25 : i32
    %lt3A_1 = arith.cmpi slt, %add3A, %lt3A : i32
    %convert_element_type3A = arith.extui %lt3A_1 : i1 to i32
    %cond3A = arith.constant 0 : i32
    %cond3A_2 = arith.cmpi ne, %convert_element_type3A, %cond3A : i32
    scf.if %cond3A_2 {
      %run_scoped3A = arith.constant 0 : i32
      "tpu.region"() ({
        %run_scoped3A_15 = tpu.sem_alloc : memref<!tpu.dma_semaphore, #tpu.memory_space<semaphore_mem>>
        %dma_start3A = arith.constant 0 : i32
        %dma_start3A_16 = tpu.memref_slice %arg2[%run_scoped3A, %dma_start3A] : memref<3x10000xf32, #tpu.memory_space<hbm>> -> memref<1x10000xf32, #tpu.memory_space<hbm>>
        %dma_start3A_17 = tpu.memref_squeeze %dma_start3A_16 : memref<1x10000xf32, #tpu.memory_space<hbm>> -> memref<10000xf32, #tpu.memory_space<hbm>>
        %dma_start3A_18 = arith.constant 0 : i32
        %dma_start3A_19 = tpu.memref_slice %arg2[%run_scoped3A, %dma_start3A_18] : memref<3x10000xf32, #tpu.memory_space<hbm>> -> memref<1x10000xf32, #tpu.memory_space<hbm>>
        %dma_start3A_20 = tpu.memref_squeeze %dma_start3A_19 : memref<1x10000xf32, #tpu.memory_space<hbm>> -> memref<10000xf32, #tpu.memory_space<hbm>>
        tpu.enqueue_dma source(%dma_start3A_20 : memref<10000xf32, #tpu.memory_space<hbm>>) target(%arg5 : memref<10000xf32, #tpu.memory_space<vmem>>) target_semaphore(%run_scoped3A_15 : memref<!tpu.dma_semaphore, #tpu.memory_space<semaphore_mem>>)
        %dma_wait3A = arith.constant 0 : i32
        %dma_wait3A_21 = tpu.memref_slice %arg2[%run_scoped3A, %dma_wait3A] : memref<3x10000xf32, #tpu.memory_space<hbm>> -> memref<1x10000xf32, #tpu.memory_space<hbm>>
        %dma_wait3A_22 = tpu.memref_squeeze %dma_wait3A_21 : memref<1x10000xf32, #tpu.memory_space<hbm>> -> memref<10000xf32, #tpu.memory_space<hbm>>
        %dma_wait3A_23 = arith.constant 0 : i32
        %dma_wait3A_24 = tpu.memref_slice %arg2[%run_scoped3A, %dma_wait3A_23] : memref<3x10000xf32, #tpu.memory_space<hbm>> -> memref<1x10000xf32, #tpu.memory_space<hbm>>
        %dma_wait3A_25 = tpu.memref_squeeze %dma_wait3A_24 : memref<1x10000xf32, #tpu.memory_space<hbm>> -> memref<10000xf32, #tpu.memory_space<hbm>>
        tpu.wait_dma2 semaphore(%run_scoped3A_15 : memref<!tpu.dma_semaphore, #tpu.memory_space<semaphore_mem>>) src(%dma_wait3A_25 : memref<10000xf32, #tpu.memory_space<hbm>>) dst(%arg5 : memref<10000xf32, #tpu.memory_space<vmem>>)
        tpu.yield
      }) : () -> ()
      %run_scoped3A_3 = arith.constant 1 : i32
      "tpu.region"() ({
        %run_scoped3A_15 = tpu.sem_alloc : memref<!tpu.dma_semaphore, #tpu.memory_space<semaphore_mem>>
        %dma_start3A = arith.constant 0 : i32
        %dma_start3A_16 = tpu.memref_slice %arg2[%run_scoped3A_3, %dma_start3A] : memref<3x10000xf32, #tpu.memory_space<hbm>> -> memref<1x10000xf32, #tpu.memory_space<hbm>>
        %dma_start3A_17 = tpu.memref_squeeze %dma_start3A_16 : memref<1x10000xf32, #tpu.memory_space<hbm>> -> memref<10000xf32, #tpu.memory_space<hbm>>
        %dma_start3A_18 = arith.constant 0 : i32
        %dma_start3A_19 = tpu.memref_slice %arg2[%run_scoped3A_3, %dma_start3A_18] : memref<3x10000xf32, #tpu.memory_space<hbm>> -> memref<1x10000xf32, #tpu.memory_space<hbm>>
        %dma_start3A_20 = tpu.memref_squeeze %dma_start3A_19 : memref<1x10000xf32, #tpu.memory_space<hbm>> -> memref<10000xf32, #tpu.memory_space<hbm>>
        tpu.enqueue_dma source(%dma_start3A_20 : memref<10000xf32, #tpu.memory_space<hbm>>) target(%arg6 : memref<10000xf32, #tpu.memory_space<vmem>>) target_semaphore(%run_scoped3A_15 : memref<!tpu.dma_semaphore, #tpu.memory_space<semaphore_mem>>)
        %dma_wait3A = arith.constant 0 : i32
        %dma_wait3A_21 = tpu.memref_slice %arg2[%run_scoped3A_3, %dma_wait3A] : memref<3x10000xf32, #tpu.memory_space<hbm>> -> memref<1x10000xf32, #tpu.memory_space<hbm>>
        %dma_wait3A_22 = tpu.memref_squeeze %dma_wait3A_21 : memref<1x10000xf32, #tpu.memory_space<hbm>> -> memref<10000xf32, #tpu.memory_space<hbm>>
        %dma_wait3A_23 = arith.constant 0 : i32
        %dma_wait3A_24 = tpu.memref_slice %arg2[%run_scoped3A_3, %dma_wait3A_23] : memref<3x10000xf32, #tpu.memory_space<hbm>> -> memref<1x10000xf32, #tpu.memory_space<hbm>>
        %dma_wait3A_25 = tpu.memref_squeeze %dma_wait3A_24 : memref<1x10000xf32, #tpu.memory_space<hbm>> -> memref<10000xf32, #tpu.memory_space<hbm>>
        tpu.wait_dma2 semaphore(%run_scoped3A_15 : memref<!tpu.dma_semaphore, #tpu.memory_space<semaphore_mem>>) src(%dma_wait3A_25 : memref<10000xf32, #tpu.memory_space<hbm>>) dst(%arg6 : memref<10000xf32, #tpu.memory_space<vmem>>)
        tpu.yield
      }) : () -> ()
      %run_scoped3A_4 = arith.constant 2 : i32
      "tpu.region"() ({
        %run_scoped3A_15 = tpu.sem_alloc : memref<!tpu.dma_semaphore, #tpu.memory_space<semaphore_mem>>
        %dma_start3A = arith.constant 0 : i32
        %dma_start3A_16 = tpu.memref_slice %arg2[%run_scoped3A_4, %dma_start3A] : memref<3x10000xf32, #tpu.memory_space<hbm>> -> memref<1x10000xf32, #tpu.memory_space<hbm>>
        %dma_start3A_17 = tpu.memref_squeeze %dma_start3A_16 : memref<1x10000xf32, #tpu.memory_space<hbm>> -> memref<10000xf32, #tpu.memory_space<hbm>>
        %dma_start3A_18 = arith.constant 0 : i32
        %dma_start3A_19 = tpu.memref_slice %arg2[%run_scoped3A_4, %dma_start3A_18] : memref<3x10000xf32, #tpu.memory_space<hbm>> -> memref<1x10000xf32, #tpu.memory_space<hbm>>
        %dma_start3A_20 = tpu.memref_squeeze %dma_start3A_19 : memref<1x10000xf32, #tpu.memory_space<hbm>> -> memref<10000xf32, #tpu.memory_space<hbm>>
        tpu.enqueue_dma source(%dma_start3A_20 : memref<10000xf32, #tpu.memory_space<hbm>>) target(%arg7 : memref<10000xf32, #tpu.memory_space<vmem>>) target_semaphore(%run_scoped3A_15 : memref<!tpu.dma_semaphore, #tpu.memory_space<semaphore_mem>>)
        %dma_wait3A = arith.constant 0 : i32
        %dma_wait3A_21 = tpu.memref_slice %arg2[%run_scoped3A_4, %dma_wait3A] : memref<3x10000xf32, #tpu.memory_space<hbm>> -> memref<1x10000xf32, #tpu.memory_space<hbm>>
        %dma_wait3A_22 = tpu.memref_squeeze %dma_wait3A_21 : memref<1x10000xf32, #tpu.memory_space<hbm>> -> memref<10000xf32, #tpu.memory_space<hbm>>
        %dma_wait3A_23 = arith.constant 0 : i32
        %dma_wait3A_24 = tpu.memref_slice %arg2[%run_scoped3A_4, %dma_wait3A_23] : memref<3x10000xf32, #tpu.memory_space<hbm>> -> memref<1x10000xf32, #tpu.memory_space<hbm>>
        %dma_wait3A_25 = tpu.memref_squeeze %dma_wait3A_24 : memref<1x10000xf32, #tpu.memory_space<hbm>> -> memref<10000xf32, #tpu.memory_space<hbm>>
        tpu.wait_dma2 semaphore(%run_scoped3A_15 : memref<!tpu.dma_semaphore, #tpu.memory_space<semaphore_mem>>) src(%dma_wait3A_25 : memref<10000xf32, #tpu.memory_space<hbm>>) dst(%arg7 : memref<10000xf32, #tpu.memory_space<vmem>>)
        tpu.yield
      }) : () -> ()
      %mul3A_5 = arith.constant 6400 : i32
      %mul3A_6 = arith.muli %add3A, %mul3A_5 : i32
      "tpu.region"() ({
        %run_scoped3A_15 = tpu.sem_alloc : memref<!tpu.dma_semaphore, #tpu.memory_space<semaphore_mem>>
        %dma_start3A = tpu.memref_slice %arg3[%mul3A_6] : memref<160000xi32, #tpu.memory_space<hbm>> -> memref<6400xi32, #tpu.memory_space<hbm>>
        %dma_start3A_16 = tpu.memref_slice %arg3[%mul3A_6] : memref<160000xi32, #tpu.memory_space<hbm>> -> memref<6400xi32, #tpu.memory_space<hbm>>
        tpu.enqueue_dma source(%dma_start3A_16 : memref<6400xi32, #tpu.memory_space<hbm>>) target(%arg8 : memref<6400xi32, #tpu.memory_space<vmem>>) target_semaphore(%run_scoped3A_15 : memref<!tpu.dma_semaphore, #tpu.memory_space<semaphore_mem>>)
        %dma_wait3A = tpu.memref_slice %arg3[%mul3A_6] : memref<160000xi32, #tpu.memory_space<hbm>> -> memref<6400xi32, #tpu.memory_space<hbm>>
        %dma_wait3A_17 = tpu.memref_slice %arg3[%mul3A_6] : memref<160000xi32, #tpu.memory_space<hbm>> -> memref<6400xi32, #tpu.memory_space<hbm>>
        tpu.wait_dma2 semaphore(%run_scoped3A_15 : memref<!tpu.dma_semaphore, #tpu.memory_space<semaphore_mem>>) src(%dma_wait3A_17 : memref<6400xi32, #tpu.memory_space<hbm>>) dst(%arg8 : memref<6400xi32, #tpu.memory_space<vmem>>)
        tpu.yield
      }) : () -> ()
      %mul3A_7 = arith.constant 400 : i32
      %mul3A_8 = arith.muli %add3A, %mul3A_7 : i32
      %iota3A = tpu.iota {dimensions = array<i32: 0>} : vector<16xi32>
      %scan3A = arith.constant 0 : i32
      %scan3A_9 = arith.constant 0 : i32
      %scan3A_10 = arith.constant 400 : i32
      %scan3A_11 = arith.addi %scan3A_9, %scan3A_10 : i32
      %scan3A_12 = arith.constant 1 : i32
      scf.for %scan3A_15 = %scan3A_9 to %scan3A_11 step %scan3A_12  : i32 {
        %mul3A_16 = arith.constant 16 : i32
        %mul3A_17 = arith.muli %scan3A_15, %mul3A_16 : i32
        %get3A = arith.index_cast %mul3A_17 : i32 to index
        %get3A_18 = tpu.vector_load %arg8[%get3A] {strides = array<i32>} : memref<6400xi32, #tpu.memory_space<vmem>>, vector<16xi32>,
        %add3A_19 = arith.addi %mul3A_8, %scan3A_15 : i32
        %broadcast_in_dim3A = vector.broadcast %add3A_19 : i32 to vector<16xi32>
        %gather3A = tpu.vector_load_idx %arg5[%get3A_18] : memref<10000xf32, #tpu.memory_space<vmem>>[vector<16xi32>], vector<16xf32>,
        %gather3A_20 = tpu.vector_load_idx %arg5[%broadcast_in_dim3A] : memref<10000xf32, #tpu.memory_space<vmem>>[vector<16xi32>], vector<16xf32>,
        %sub3A = arith.subf %gather3A, %gather3A_20 : vector<16xf32>
        %gather3A_21 = tpu.vector_load_idx %arg6[%get3A_18] : memref<10000xf32, #tpu.memory_space<vmem>>[vector<16xi32>], vector<16xf32>,
        %gather3A_22 = tpu.vector_load_idx %arg6[%broadcast_in_dim3A] : memref<10000xf32, #tpu.memory_space<vmem>>[vector<16xi32>], vector<16xf32>,
        %sub3A_23 = arith.subf %gather3A_21, %gather3A_22 : vector<16xf32>
        %gather3A_24 = tpu.vector_load_idx %arg7[%get3A_18] : memref<10000xf32, #tpu.memory_space<vmem>>[vector<16xi32>], vector<16xf32>,
        %gather3A_25 = tpu.vector_load_idx %arg7[%broadcast_in_dim3A] : memref<10000xf32, #tpu.memory_space<vmem>>[vector<16xi32>], vector<16xf32>,
        %sub3A_26 = arith.subf %gather3A_24, %gather3A_25 : vector<16xf32>
        %mul3A_27 = arith.mulf %sub3A, %sub3A : vector<16xf32>
        %mul3A_28 = arith.mulf %sub3A_23, %sub3A_23 : vector<16xf32>
        %add3A_29 = arith.addf %mul3A_27, %mul3A_28 : vector<16xf32>
        %mul3A_30 = arith.mulf %sub3A_26, %sub3A_26 : vector<16xf32>
        %add3A_31 = arith.addf %add3A_29, %mul3A_30 : vector<16xf32>
        %add3A_32 = arith.constant 1.44269501E-11 : f32
        %add3A_33 = vector.broadcast %add3A_32 : f32 to vector<16xf32>
        %add3A_34 = arith.addf %add3A_31, %add3A_33 : vector<16xf32>
        %bitcast3A = vector.bitcast %add3A_34 : vector<16xf32> to vector<16xi32>
        %shift_right_arithmetic3A = arith.constant 1 : i32
        %shift_right_arithmetic3A_35 = vector.broadcast %shift_right_arithmetic3A : i32 to vector<16xi32>
        %shift_right_arithmetic3A_36 = arith.shrsi %bitcast3A, %shift_right_arithmetic3A_35 : vector<16xi32>
        %sub3A_37 = arith.constant 1597463007 : i32
        %sub3A_38 = vector.broadcast %sub3A_37 : i32 to vector<16xi32>
        %sub3A_39 = arith.subi %sub3A_38, %shift_right_arithmetic3A_36 : vector<16xi32>
        %bitcast3A_40 = vector.bitcast %sub3A_39 : vector<16xi32> to vector<16xf32>
        %mul3A_41 = arith.constant 5.000000e-01 : f32
        %mul3A_42 = vector.broadcast %mul3A_41 : f32 to vector<16xf32>
        %mul3A_43 = arith.mulf %mul3A_42, %add3A_34 : vector<16xf32>
        %mul3A_44 = arith.mulf %mul3A_43, %bitcast3A_40 : vector<16xf32>
        %mul3A_45 = arith.mulf %mul3A_44, %bitcast3A_40 : vector<16xf32>
        %sub3A_46 = arith.constant 1.500000e+00 : f32
        %sub3A_47 = vector.broadcast %sub3A_46 : f32 to vector<16xf32>
        %sub3A_48 = arith.subf %sub3A_47, %mul3A_45 : vector<16xf32>
        %mul3A_49 = arith.mulf %bitcast3A_40, %sub3A_48 : vector<16xf32>
        %mul3A_50 = arith.mulf %mul3A_43, %mul3A_49 : vector<16xf32>
        %mul3A_51 = arith.mulf %mul3A_50, %mul3A_49 : vector<16xf32>
        %sub3A_52 = arith.constant 1.500000e+00 : f32
        %sub3A_53 = vector.broadcast %sub3A_52 : f32 to vector<16xf32>
        %sub3A_54 = arith.subf %sub3A_53, %mul3A_51 : vector<16xf32>
        %mul3A_55 = arith.mulf %mul3A_49, %sub3A_54 : vector<16xf32>
        %mul3A_56 = arith.mulf %mul3A_43, %mul3A_55 : vector<16xf32>
        %mul3A_57 = arith.mulf %mul3A_56, %mul3A_55 : vector<16xf32>
        %sub3A_58 = arith.constant 1.500000e+00 : f32
        %sub3A_59 = vector.broadcast %sub3A_58 : f32 to vector<16xf32>
        %sub3A_60 = arith.subf %sub3A_59, %mul3A_57 : vector<16xf32>
        %mul3A_61 = arith.mulf %mul3A_55, %sub3A_60 : vector<16xf32>
        %mul3A_62 = arith.mulf %mul3A_43, %mul3A_61 : vector<16xf32>
        %mul3A_63 = arith.mulf %mul3A_62, %mul3A_61 : vector<16xf32>
        %sub3A_64 = arith.constant 1.500000e+00 : f32
        %sub3A_65 = vector.broadcast %sub3A_64 : f32 to vector<16xf32>
        %sub3A_66 = arith.subf %sub3A_65, %mul3A_63 : vector<16xf32>
        %mul3A_67 = arith.mulf %mul3A_61, %sub3A_66 : vector<16xf32>
        %mul3A_68 = arith.constant 400 : i32
        %mul3A_69 = vector.broadcast %mul3A_68 : i32 to vector<16xi32>
        %mul3A_70 = arith.muli %iota3A, %mul3A_69 : vector<16xi32>
        %add3A_71 = vector.broadcast %scan3A_15 : i32 to vector<16xi32>
        %add3A_72 = arith.addi %mul3A_70, %add3A_71 : vector<16xi32>
        %mul3A_73 = arith.mulf %add3A_34, %mul3A_67 : vector<16xf32>
        tpu.vector_store_idx %arg9[%add3A_72], %mul3A_73 : memref<6400xf32, #tpu.memory_space<vmem>>[vector<16xi32>], vector<16xf32>,
      }
      %scan3A_13 = arith.constant 400 : i32
      %run_scoped3A_14 = arith.constant 0 : i32
      "tpu.region"() ({
        %run_scoped3A_15 = tpu.sem_alloc : memref<!tpu.dma_semaphore, #tpu.memory_space<semaphore_mem>>
        %dma_start3A = arith.constant 0 : i32
        %dma_start3A_16 = tpu.memref_slice %arg4[%add3A, %run_scoped3A_14, %dma_start3A] : memref<25x1x6400xf32, #tpu.memory_space<hbm>> -> memref<1x1x6400xf32, #tpu.memory_space<hbm>>
        %dma_start3A_17 = tpu.memref_squeeze %dma_start3A_16 : memref<1x1x6400xf32, #tpu.memory_space<hbm>> -> memref<6400xf32, #tpu.memory_space<hbm>>
        %dma_start3A_18 = arith.constant 0 : i32
        %dma_start3A_19 = tpu.memref_slice %arg4[%add3A, %run_scoped3A_14, %dma_start3A_18] : memref<25x1x6400xf32, #tpu.memory_space<hbm>> -> memref<1x1x6400xf32, #tpu.memory_space<hbm>>
        %dma_start3A_20 = tpu.memref_squeeze %dma_start3A_19 : memref<1x1x6400xf32, #tpu.memory_space<hbm>> -> memref<6400xf32, #tpu.memory_space<hbm>>
        tpu.enqueue_dma source(%arg9 : memref<6400xf32, #tpu.memory_space<vmem>>) target(%dma_start3A_20 : memref<6400xf32, #tpu.memory_space<hbm>>) target_semaphore(%run_scoped3A_15 : memref<!tpu.dma_semaphore, #tpu.memory_space<semaphore_mem>>)
        %dma_wait3A = arith.constant 0 : i32
        %dma_wait3A_21 = tpu.memref_slice %arg4[%add3A, %run_scoped3A_14, %dma_wait3A] : memref<25x1x6400xf32, #tpu.memory_space<hbm>> -> memref<1x1x6400xf32, #tpu.memory_space<hbm>>
        %dma_wait3A_22 = tpu.memref_squeeze %dma_wait3A_21 : memref<1x1x6400xf32, #tpu.memory_space<hbm>> -> memref<6400xf32, #tpu.memory_space<hbm>>
        %dma_wait3A_23 = arith.constant 0 : i32
        %dma_wait3A_24 = tpu.memref_slice %arg4[%add3A, %run_scoped3A_14, %dma_wait3A_23] : memref<25x1x6400xf32, #tpu.memory_space<hbm>> -> memref<1x1x6400xf32, #tpu.memory_space<hbm>>
        %dma_wait3A_25 = tpu.memref_squeeze %dma_wait3A_24 : memref<1x1x6400xf32, #tpu.memory_space<hbm>> -> memref<6400xf32, #tpu.memory_space<hbm>>
        tpu.wait_dma2 semaphore(%run_scoped3A_15 : memref<!tpu.dma_semaphore, #tpu.memory_space<semaphore_mem>>) src(%arg9 : memref<6400xf32, #tpu.memory_space<vmem>>) dst(%dma_wait3A_25 : memref<6400xf32, #tpu.memory_space<hbm>>)
        tpu.yield
      }) : () -> ()
    } else {
    }
    return
  }
}

module attributes {stable_mosaic.version = 14 : i64} {
  func.func @_tc_body(%arg0: i32, %arg1: memref<400x300xf32, #tpu.memory_space<vmem>>, %arg2: memref<1x1x6400xf32, #tpu.memory_space<vmem>>, %arg3: memref<1x300xf32, #tpu.memory_space<vmem>>, %arg4: memref<300x300xf32, #tpu.memory_space<vmem>>, %arg5: memref<1x300xf32, #tpu.memory_space<vmem>>, %arg6: memref<300x300xf32, #tpu.memory_space<vmem>>, %arg7: memref<1x300xf32, #tpu.memory_space<vmem>>, %arg8: memref<300x300xf32, #tpu.memory_space<vmem>>, %arg9: memref<1x300xf32, #tpu.memory_space<vmem>>, %arg10: memref<300x300xf32, #tpu.memory_space<vmem>>, %arg11: memref<1x300xf32, #tpu.memory_space<vmem>>, %arg12: memref<300x300xf32, #tpu.memory_space<vmem>>, %arg13: memref<1x300xf32, #tpu.memory_space<vmem>>, %arg14: memref<400x300xf32, #tpu.memory_space<vmem>>) attributes {dimension_semantics = [#tpu.dimension_semantics<arbitrary>], iteration_bounds = array<i64: 25>, scalar_prefetch = 0 : i64, scratch_operands = 0 : i64, tpu.core_type = #tpu.core_type<tc>, window_params = [{transform_indices = @transform_0, window_bounds = array<i64: 400, 300>}, {transform_indices = @transform_1, window_bounds = array<i64: 1, 1, 6400>}, {pipeline_mode = #tpu.pipeline_mode<synchronous>, transform_indices = @transform_2, window_bounds = array<i64: 1, 300>}, {pipeline_mode = #tpu.pipeline_mode<synchronous>, transform_indices = @transform_3, window_bounds = array<i64: 300, 300>}, {pipeline_mode = #tpu.pipeline_mode<synchronous>, transform_indices = @transform_4, window_bounds = array<i64: 1, 300>}, {pipeline_mode = #tpu.pipeline_mode<synchronous>, transform_indices = @transform_5, window_bounds = array<i64: 300, 300>}, {pipeline_mode = #tpu.pipeline_mode<synchronous>, transform_indices = @transform_6, window_bounds = array<i64: 1, 300>}, {pipeline_mode = #tpu.pipeline_mode<synchronous>, transform_indices = @transform_7, window_bounds = array<i64: 300, 300>}, {pipeline_mode = #tpu.pipeline_mode<synchronous>, transform_indices = @transform_8, window_bounds = array<i64: 1, 300>}, {pipeline_mode = #tpu.pipeline_mode<synchronous>, transform_indices = @transform_9, window_bounds = array<i64: 300, 300>}, {pipeline_mode = #tpu.pipeline_mode<synchronous>, transform_indices = @transform_10, window_bounds = array<i64: 1, 300>}, {pipeline_mode = #tpu.pipeline_mode<synchronous>, transform_indices = @transform_11, window_bounds = array<i64: 300, 300>}, {pipeline_mode = #tpu.pipeline_mode<synchronous>, transform_indices = @transform_12, window_bounds = array<i64: 1, 300>}, {transform_indices = @transform_13, window_bounds = array<i64: 400, 300>}]} {
    %get3A = arith.constant 0 : index
    %get3A_0 = arith.constant 0 : index
    %get3A_1 = vector.load %arg1[%get3A, %get3A_0] : memref<400x300xf32, #tpu.memory_space<vmem>>, vector<400x300xf32>
    %get3A_2 = arith.constant 0 : index
    %get3A_3 = arith.constant 0 : index
    %get3A_4 = arith.constant 0 : index
    %get3A_5 = vector.load %arg2[%get3A_2, %get3A_3, %get3A_4] : memref<1x1x6400xf32, #tpu.memory_space<vmem>>, vector<1x1x6400xf32>
    %get3A_6 = vector.shape_cast %get3A_5 : vector<1x1x6400xf32> to vector<1x6400xf32>
    %transpose3A = tpu.transpose %get3A_6, [1, 0] : vector<1x6400xf32> -> vector<6400x1xf32>
    %get3A_7 = arith.constant 0 : index
    %get3A_8 = arith.constant 0 : index
    %get3A_9 = vector.load %arg11[%get3A_7, %get3A_8] : memref<1x300xf32, #tpu.memory_space<vmem>>, vector<1x300xf32>
    %mul3A = arith.constant 1.44269502 : f32
    %mul3A_10 = vector.broadcast %mul3A : f32 to vector<1x300xf32>
    %mul3A_11 = arith.mulf %get3A_9, %mul3A_10 : vector<1x300xf32>
    %sub3A = arith.constant 1.000000e+00 : f32
    %sub3A_12 = vector.broadcast %sub3A : f32 to vector<1x300xf32>
    %sub3A_13 = arith.subf %mul3A_11, %sub3A_12 : vector<1x300xf32>
    %get3A_14 = arith.constant 0 : index
    %get3A_15 = arith.constant 0 : index
    %get3A_16 = vector.load %arg6[%get3A_14, %get3A_15] : memref<300x300xf32, #tpu.memory_space<vmem>>, vector<300x300xf32>
    %broadcast_in_dim3A = arith.constant 0.000000e+00 : f32
    %broadcast_in_dim3A_17 = vector.broadcast %broadcast_in_dim3A : f32 to vector<300x1xf32>
    %concatenate3A = tpu.concatenate %get3A_16, %broadcast_in_dim3A_17 in 1 : vector<300x300xf32>, vector<300x1xf32> -> vector<300x301xf32>
    %get3A_18 = arith.constant 0 : index
    %get3A_19 = arith.constant 0 : index
    %get3A_20 = vector.load %arg7[%get3A_18, %get3A_19] : memref<1x300xf32, #tpu.memory_space<vmem>>, vector<1x300xf32>
    %mul3A_21 = arith.constant 1.44269502 : f32
    %mul3A_22 = vector.broadcast %mul3A_21 : f32 to vector<1x300xf32>
    %mul3A_23 = arith.mulf %get3A_20, %mul3A_22 : vector<1x300xf32>
    %sub3A_24 = arith.constant 1.000000e+00 : f32
    %sub3A_25 = vector.broadcast %sub3A_24 : f32 to vector<1x300xf32>
    %sub3A_26 = arith.subf %mul3A_23, %sub3A_25 : vector<1x300xf32>
    %broadcast_in_dim3A_27 = arith.constant 0.584962487 : f32
    %broadcast_in_dim3A_28 = vector.broadcast %broadcast_in_dim3A_27 : f32 to vector<1x1xf32>
    %concatenate3A_29 = tpu.concatenate %sub3A_26, %broadcast_in_dim3A_28 in 1 : vector<1x300xf32>, vector<1x1xf32> -> vector<1x301xf32>
    %get3A_30 = arith.constant 0 : index
    %get3A_31 = arith.constant 0 : index
    %get3A_32 = vector.load %arg8[%get3A_30, %get3A_31] : memref<300x300xf32, #tpu.memory_space<vmem>>, vector<300x300xf32>
    %get3A_33 = arith.constant 0 : index
    %get3A_34 = arith.constant 0 : index
    %get3A_35 = vector.load %arg9[%get3A_33, %get3A_34] : memref<1x300xf32, #tpu.memory_space<vmem>>, vector<1x300xf32>
    %mul3A_36 = arith.constant 1.44269502 : f32
    %mul3A_37 = vector.broadcast %mul3A_36 : f32 to vector<1x300xf32>
    %mul3A_38 = arith.mulf %get3A_35, %mul3A_37 : vector<1x300xf32>
    %sub3A_39 = arith.constant 1.000000e+00 : f32
    %sub3A_40 = vector.broadcast %sub3A_39 : f32 to vector<1x300xf32>
    %sub3A_41 = arith.subf %mul3A_38, %sub3A_40 : vector<1x300xf32>
    %concatenate3A_42 = tpu.concatenate %get3A_32, %sub3A_41 in 0 : vector<300x300xf32>, vector<1x300xf32> -> vector<301x300xf32>
    %get3A_43 = arith.constant 0 : index
    %get3A_44 = arith.constant 0 : index
    %get3A_45 = vector.load %arg3[%get3A_43, %get3A_44] : memref<1x300xf32, #tpu.memory_space<vmem>>, vector<1x300xf32>
    %sub3A_46 = vector.broadcast %transpose3A : vector<6400x1xf32> to vector<6400x300xf32>
    %sub3A_47 = vector.broadcast %get3A_45 : vector<1x300xf32> to vector<6400x300xf32>
    %sub3A_48 = arith.subf %sub3A_46, %sub3A_47 : vector<6400x300xf32>
    %mul3A_49 = arith.mulf %sub3A_48, %sub3A_48 : vector<6400x300xf32>
    %sub3A_50 = arith.constant 0.528766394 : f32
    %sub3A_51 = vector.broadcast %sub3A_50 : f32 to vector<6400x300xf32>
    %sub3A_52 = arith.subf %sub3A_51, %mul3A_49 : vector<6400x300xf32>
    %exp23A = math.exp2 %sub3A_52 : vector<6400x300xf32>
    %dot_general3A = arith.constant dense<0.000000e+00> : vector<6400x301xf32>
    %dot_general3A_53 = tpu.matmul %exp23A, %concatenate3A, %dot_general3A {dimension_numbers = #tpu.dot_dimension_numbers<[1], [0], [0], [1], [0, 0, 1, 1], [], []>, transpose_lhs_hint = false} : vector<6400x300xf32>, vector<300x301xf32>, vector<6400x301xf32> -> vector<6400x301xf32>
    %add3A = vector.broadcast %concatenate3A_29 : vector<1x301xf32> to vector<6400x301xf32>
    %add3A_54 = arith.addf %dot_general3A_53, %add3A : vector<6400x301xf32>
    %exp23A_55 = math.exp2 %add3A_54 : vector<6400x301xf32>
    %add3A_56 = arith.constant 5.000000e-01 : f32
    %add3A_57 = vector.broadcast %add3A_56 : f32 to vector<6400x301xf32>
    %add3A_58 = arith.addf %exp23A_55, %add3A_57 : vector<6400x301xf32>
    %log3A = math.log %add3A_58 : vector<6400x301xf32>
    %log3A_59 = arith.constant 2.000000e+00 : f32
    %log3A_60 = math.log %log3A_59 : f32
    %div3A = vector.broadcast %log3A_60 : f32 to vector<6400x301xf32>
    %div3A_61 = arith.divf %log3A, %div3A : vector<6400x301xf32>
    %dot_general3A_62 = arith.constant dense<0.000000e+00> : vector<6400x300xf32>
    %dot_general3A_63 = tpu.matmul %div3A_61, %concatenate3A_42, %dot_general3A_62 {dimension_numbers = #tpu.dot_dimension_numbers<[1], [0], [0], [1], [0, 0, 1, 1], [], []>, transpose_lhs_hint = false} : vector<6400x301xf32>, vector<301x300xf32>, vector<6400x300xf32> -> vector<6400x300xf32>
    %exp23A_64 = math.exp2 %dot_general3A_63 : vector<6400x300xf32>
    %add3A_65 = arith.constant 5.000000e-01 : f32
    %add3A_66 = vector.broadcast %add3A_65 : f32 to vector<6400x300xf32>
    %add3A_67 = arith.addf %exp23A_64, %add3A_66 : vector<6400x300xf32>
    %log3A_68 = math.log %add3A_67 : vector<6400x300xf32>
    %log3A_69 = arith.constant 2.000000e+00 : f32
    %log3A_70 = math.log %log3A_69 : f32
    %div3A_71 = vector.broadcast %log3A_70 : f32 to vector<6400x300xf32>
    %div3A_72 = arith.divf %log3A_68, %div3A_71 : vector<6400x300xf32>
    %reshape3A = vector.shape_cast %div3A_72 : vector<6400x300xf32> to vector<16x400x300xf32>
    %reduce_sum3A = arith.constant dense<0.000000e+00> : vector<400x300xf32>
    %reduce_sum3A_73 = vector.multi_reduction <add>, %reshape3A, %reduce_sum3A [0] : vector<16x400x300xf32> to vector<400x300xf32>
    %get3A_74 = arith.constant 0 : index
    %get3A_75 = arith.constant 0 : index
    %get3A_76 = vector.load %arg4[%get3A_74, %get3A_75] : memref<300x300xf32, #tpu.memory_space<vmem>>, vector<300x300xf32>
    %dot_general3A_77 = arith.constant dense<0.000000e+00> : vector<400x300xf32>
    %dot_general3A_78 = tpu.matmul %get3A_1, %get3A_76, %dot_general3A_77 {dimension_numbers = #tpu.dot_dimension_numbers<[1], [0], [0], [1], [0, 0, 1, 1], [], []>, transpose_lhs_hint = false} : vector<400x300xf32>, vector<300x300xf32>, vector<400x300xf32> -> vector<400x300xf32>
    %get3A_79 = arith.constant 0 : index
    %get3A_80 = arith.constant 0 : index
    %get3A_81 = vector.load %arg5[%get3A_79, %get3A_80] : memref<1x300xf32, #tpu.memory_space<vmem>>, vector<1x300xf32>
    %add3A_82 = vector.broadcast %get3A_81 : vector<1x300xf32> to vector<400x300xf32>
    %add3A_83 = arith.addf %dot_general3A_78, %add3A_82 : vector<400x300xf32>
    %mul3A_84 = arith.mulf %add3A_83, %reduce_sum3A_73 : vector<400x300xf32>
    %get3A_85 = arith.constant 0 : index
    %get3A_86 = arith.constant 0 : index
    %get3A_87 = vector.load %arg10[%get3A_85, %get3A_86] : memref<300x300xf32, #tpu.memory_space<vmem>>, vector<300x300xf32>
    %dot_general3A_88 = arith.constant dense<0.000000e+00> : vector<400x300xf32>
    %dot_general3A_89 = tpu.matmul %mul3A_84, %get3A_87, %dot_general3A_88 {dimension_numbers = #tpu.dot_dimension_numbers<[1], [0], [0], [1], [0, 0, 1, 1], [], []>, transpose_lhs_hint = false} : vector<400x300xf32>, vector<300x300xf32>, vector<400x300xf32> -> vector<400x300xf32>
    %add3A_90 = vector.broadcast %sub3A_13 : vector<1x300xf32> to vector<400x300xf32>
    %add3A_91 = arith.addf %dot_general3A_89, %add3A_90 : vector<400x300xf32>
    %exp23A_92 = math.exp2 %add3A_91 : vector<400x300xf32>
    %add3A_93 = arith.constant 5.000000e-01 : f32
    %add3A_94 = vector.broadcast %add3A_93 : f32 to vector<400x300xf32>
    %add3A_95 = arith.addf %exp23A_92, %add3A_94 : vector<400x300xf32>
    %log3A_96 = math.log %add3A_95 : vector<400x300xf32>
    %get3A_97 = arith.constant 0 : index
    %get3A_98 = arith.constant 0 : index
    %get3A_99 = vector.load %arg12[%get3A_97, %get3A_98] : memref<300x300xf32, #tpu.memory_space<vmem>>, vector<300x300xf32>
    %dot_general3A_100 = arith.constant dense<0.000000e+00> : vector<400x300xf32>
    %dot_general3A_101 = tpu.matmul %log3A_96, %get3A_99, %dot_general3A_100 {dimension_numbers = #tpu.dot_dimension_numbers<[1], [0], [0], [1], [0, 0, 1, 1], [], []>, transpose_lhs_hint = false} : vector<400x300xf32>, vector<300x300xf32>, vector<400x300xf32> -> vector<400x300xf32>
    %add3A_102 = arith.addf %get3A_1, %dot_general3A_101 : vector<400x300xf32>
    %get3A_103 = arith.constant 0 : index
    %get3A_104 = arith.constant 0 : index
    %get3A_105 = vector.load %arg13[%get3A_103, %get3A_104] : memref<1x300xf32, #tpu.memory_space<vmem>>, vector<1x300xf32>
    %add3A_106 = vector.broadcast %get3A_105 : vector<1x300xf32> to vector<400x300xf32>
    %add3A_107 = arith.addf %add3A_102, %add3A_106 : vector<400x300xf32>
    %swap3A = arith.constant 0 : index
    %swap3A_108 = arith.constant 0 : index
    %swap3A_109 = vector.load %arg14[%swap3A, %swap3A_108] : memref<400x300xf32, #tpu.memory_space<vmem>>, vector<400x300xf32>
    tpu.vector_store %arg14[%swap3A, %swap3A_108], %add3A_107 {strides = array<i32>} : memref<400x300xf32, #tpu.memory_space<vmem>>, vector<400x300xf32>,
    return
  }
  func.func @transform_0(%arg0: i32) -> (i32, i32) {
    %c0_i32 = arith.constant 0 : i32
    %c0_i32_0 = arith.constant 0 : i32
    return %arg0, %c0_i32 : i32, i32
  }
  func.func @transform_1(%arg0: i32) -> (i32, i32, i32) {
    %c0_i32 = arith.constant 0 : i32
    %c0_i32_0 = arith.constant 0 : i32
    %c0_i32_1 = arith.constant 0 : i32
    return %arg0, %c0_i32, %c0_i32_0 : i32, i32, i32
  }
  func.func @transform_2(%arg0: i32) -> (i32, i32) {
    %c0_i32 = arith.constant 0 : i32
    %c0_i32_0 = arith.constant 0 : i32
    %c0_i32_1 = arith.constant 0 : i32
    return %c0_i32, %c0_i32_0 : i32, i32
  }
  func.func @transform_3(%arg0: i32) -> (i32, i32) {
    %c0_i32 = arith.constant 0 : i32
    %c0_i32_0 = arith.constant 0 : i32
    %c0_i32_1 = arith.constant 0 : i32
    return %c0_i32, %c0_i32_0 : i32, i32
  }
  func.func @transform_4(%arg0: i32) -> (i32, i32) {
    %c0_i32 = arith.constant 0 : i32
    %c0_i32_0 = arith.constant 0 : i32
    %c0_i32_1 = arith.constant 0 : i32
    return %c0_i32, %c0_i32_0 : i32, i32
  }
  func.func @transform_5(%arg0: i32) -> (i32, i32) {
    %c0_i32 = arith.constant 0 : i32
    %c0_i32_0 = arith.constant 0 : i32
    %c0_i32_1 = arith.constant 0 : i32
    return %c0_i32, %c0_i32_0 : i32, i32
  }
  func.func @transform_6(%arg0: i32) -> (i32, i32) {
    %c0_i32 = arith.constant 0 : i32
    %c0_i32_0 = arith.constant 0 : i32
    %c0_i32_1 = arith.constant 0 : i32
    return %c0_i32, %c0_i32_0 : i32, i32
  }
  func.func @transform_7(%arg0: i32) -> (i32, i32) {
    %c0_i32 = arith.constant 0 : i32
    %c0_i32_0 = arith.constant 0 : i32
    %c0_i32_1 = arith.constant 0 : i32
    return %c0_i32, %c0_i32_0 : i32, i32
  }
  func.func @transform_8(%arg0: i32) -> (i32, i32) {
    %c0_i32 = arith.constant 0 : i32
    %c0_i32_0 = arith.constant 0 : i32
    %c0_i32_1 = arith.constant 0 : i32
    return %c0_i32, %c0_i32_0 : i32, i32
  }
  func.func @transform_9(%arg0: i32) -> (i32, i32) {
    %c0_i32 = arith.constant 0 : i32
    %c0_i32_0 = arith.constant 0 : i32
    %c0_i32_1 = arith.constant 0 : i32
    return %c0_i32, %c0_i32_0 : i32, i32
  }
  func.func @transform_10(%arg0: i32) -> (i32, i32) {
    %c0_i32 = arith.constant 0 : i32
    %c0_i32_0 = arith.constant 0 : i32
    %c0_i32_1 = arith.constant 0 : i32
    return %c0_i32, %c0_i32_0 : i32, i32
  }
  func.func @transform_11(%arg0: i32) -> (i32, i32) {
    %c0_i32 = arith.constant 0 : i32
    %c0_i32_0 = arith.constant 0 : i32
    %c0_i32_1 = arith.constant 0 : i32
    return %c0_i32, %c0_i32_0 : i32, i32
  }
  func.func @transform_12(%arg0: i32) -> (i32, i32) {
    %c0_i32 = arith.constant 0 : i32
    %c0_i32_0 = arith.constant 0 : i32
    %c0_i32_1 = arith.constant 0 : i32
    return %c0_i32, %c0_i32_0 : i32, i32
  }
  func.func @transform_13(%arg0: i32) -> (i32, i32) {
    %c0_i32 = arith.constant 0 : i32
    %c0_i32_0 = arith.constant 0 : i32
    return %arg0, %c0_i32 : i32, i32
  }
}

</mosaic_0001>

<sc_bundles>
// kernel: kernel.4.cloned.1.call-start
scs
__scs_entry_jumppad:
0x0: {  	(pc) =	sbr.rel $0x88, $3  }
0x1: {  	(tag) =	ssettag $0x0;
	lr =	simm.s32 $0x1  }
0x2: {  	[smem:$0x3F94] =	sst lr;
	_ =	strace $0xD0000000  }
0x3: {  	_ = 	snop  }
0x4: {  	_ = 	snop  }
0x5: {  	_ = 	snop  }
0x6: {  	_ = 	snop  }
0x7: {  	_ = 	snop  }
__scs_overlays_trampoline_lowered:
0x8: {  	[smem:$0x3FA3] =	sst s0  }
0x9: {  	[smem:$0x3FA4] =	sst s1  }
0xa: {  	[smem:$0x3FA5] =	sst s2  }
0xb: {  	[smem:$0x3FA6] =	sst s3  }
0xc: {  	[smem:$0x3FA7] =	sst s4  }
0xd: {  	[smem:$0x3FA8] =	sst s5  }
0xe: {  	[smem:$0x3FA9] =	sst s6  }
0xf: {  	[smem:$0x3FAA] =	sst s7  }
0x10: {  	[smem:$0x3FAB] =	sst s8  }
0x11: {  	[smem:$0x3FAC] =	sst s9;
	s0 =	simm.s32 @!p0 $0x0  }
0x12: {  	s1 =	sld [smem:$0x3F92];
	s0 =	simm.s32 @p0 $0x1  }
0x13: {  	[smem:$0x3FAD] =	sst s0;
	s0 =	simm.s32 @!p1 $0x0  }
0x14: {  	s2 =	sld [smem:$0x3F91];
	s0 =	simm.s32 @p1 $0x1  }
0x15: {  	[smem:$0x3FAE] =	sst s0;
	s0 =	simm.s32 @!p2 $0x0  }
0x16: {  	s3 =	sld [smem:$0x3FDB];
	s0 =	simm.s32 @p2 $0x1  }
0x17: {  	s4 =	simm.s32 $0x1BF5;
	[smem:$0x3FB0] =	sst s0  }
0x18: {  	s0 =	sld [smem:$0x3F93];
	_ =	swait.ge [sflag:s4], $0x0  }
0x19: {  	s7 =	sld [smem:$0x3F94]  }
0x1a: {  	s8 =	sadd.s32 $0xFFFFE003, lr  }
0x1b: {  	s9 =	sadd.s32 $0xFFFFFEF7, lr;
	s5 =	simm.s32 $0xFFFFFFFF;
	p2 =	slt.u32 s8, $0xFFFFF086  }
0x1c: {  	p1 =	slt.u32 s9, $0xF7A;
	s5 =	simm.s32 @!p2 $0x0  }
0x1d: {  	s5 =	simm.s32 @p1 $0x1;
	p0 =	seq.s32 s7, s2  }
0x1e: {  	s7 =	smul.u32 @!p0 $0xF7A, s2;
	p2 =	seq.s32 @!p0 s5, $0x0  }
0x1f: {  	s9 =	smul.u32 $0xF7A, s1;
	s8 =	simm.s32 @!p0 $0x1BF5;
	p2 =	por !p2, p0  }
0x20: {  	[sflag:s8] =	ssyncset.s32 @!p0 $0xFFFFF086;
	s6 =	sadd.s32 @!p0 s3, s7;
	s7 =	simm.s32 @!p0 $0x108  }
0x21: {  	s3 =	sadd.s32 s3, s9;
	s6 =	sadd.s32 @!p0 $0x88, s6;
	s7 =	simm.s32 @p2 $0x1082  }
0x22: {  	[simem:s7], [sflag:s8] =	dma.local @!p0 [hbm:s6], $0xF7A  }
0x23: {  	s9 =	sor.u32 $0xD0000000, s2;
	s6 =	simm.s32 $0x108;
	_ =	swait.ge @!p0 [sflag:s8], $0x0  }
0x24: {  	s3 =	sadd.s32 $0x88, s3;
	s6 =	simm.s32 @!p1 $0x1082;
	[sflag:s4] =	ssyncset.s32 $0xFFFFF086  }
0x25: {  	[simem:s6], [sflag:s4] =	dma.local [hbm:s3], $0xF7A  }
0x26: {  	[smem:$0x3F94] =	sst s1;
	(tag) =	ssettag s2;
	_ =	strace s9  }
0x27: {  	s1 =	sld [smem:$0x3FA4]  }
0x28: {  	s2 =	sld [smem:$0x3FA5]  }
0x29: {  	s4 =	sld [smem:$0x3FA7]  }
0x2a: {  	p0 =	seq.s32 s5, $0x0;
	s5 =	sld [smem:$0x3FA8]  }
0x2b: {  	s6 =	sld [smem:$0x3FA9]  }
0x2c: {  	s7 =	sld [smem:$0x3FAA]  }
0x2d: {  	s3 =	simm.s32 $0x108;
	s8 =	sld [smem:$0x3FAB]  }
0x2e: {  	s3 =	simm.s32 @!p0 $0x1082;
	s9 =	sld [smem:$0x3FAC]  }
0x2f: {  	lr =	sadd.s32 s0, s3;
	s0 =	sld [smem:$0x3FA3]  }
0x30: {  	s3 =	sld [smem:$0x3FA6]  }
0x31: {  	[smem:$0x3FAF] =	sst s10  }
0x32: {  	s10 =	sld [smem:$0x3FAD];
	_ =	sdelay $0x3  }
0x33: {  	p0 =	seq.s32 s10, $0x1;
	s10 =	sld [smem:$0x3FAF];
	_ =	sdelay $0x3  }
0x34: {  	[smem:$0x3FAF] =	sst s10  }
0x35: {  	s10 =	sld [smem:$0x3FAE];
	_ =	sdelay $0x3  }
0x36: {  	p1 =	seq.s32 s10, $0x1;
	s10 =	sld [smem:$0x3FAF];
	_ =	sdelay $0x3  }
0x37: {  	[smem:$0x3FAF] =	sst s10  }
0x38: {  	s10 =	sld [smem:$0x3FB0]  }
0x39: {  	_ = 	snop;
	(pc) =	sbr.ind lr, $3  }
0x3a: {  	_ = 	snop  }
0x3b: {  	_ = 	snop  }
0x3c: {  	p2 =	seq.s32 s10, $0x1;
	s10 =	sld [smem:$0x3FAF]  }
0x3d: {  	_ =	shalt  }
0x3e: {  	_ =	shalt  }
0x3f: {  	_ =	shalt  }
0x40: {  	_ =	shalt  }
0x41: {  	_ =	shalt  }
0x42: {  	_ =	shalt  }
0x43: {  	_ =	shalt  }
0x44: {  	_ =	shalt  }
0x45: {  	_ =	shalt  }
0x46: {  	_ =	shalt  }
0x47: {  	_ =	shalt  }
0x48: {  	_ =	shalt  }
0x49: {  	_ =	shalt  }
0x4a: {  	_ =	shalt  }
0x4b: {  	_ =	shalt  }
0x4c: {  	_ =	shalt  }
0x4d: {  	_ =	shalt  }
0x4e: {  	_ =	shalt  }
0x4f: {  	_ =	shalt  }
0x50: {  	_ =	shalt  }
0x51: {  	_ =	shalt  }
0x52: {  	_ =	shalt  }
0x53: {  	_ =	shalt  }
0x54: {  	_ =	shalt  }
0x55: {  	_ =	shalt  }
0x56: {  	_ =	shalt  }
0x57: {  	_ =	shalt  }
0x58: {  	_ =	shalt  }
0x59: {  	_ =	shalt  }
0x5a: {  	_ =	shalt  }
0x5b: {  	_ =	shalt  }
0x5c: {  	_ =	shalt  }
0x5d: {  	_ =	shalt  }
0x5e: {  	_ =	shalt  }
0x5f: {  	_ =	shalt  }
0x60: {  	_ =	shalt  }
0x61: {  	_ =	shalt  }
0x62: {  	_ =	shalt  }
0x63: {  	_ =	shalt  }
0x64: {  	_ =	shalt  }
0x65: {  	_ =	shalt  }
0x66: {  	_ =	shalt  }
0x67: {  	_ =	shalt  }
0x68: {  	_ =	shalt  }
0x69: {  	_ =	shalt  }
0x6a: {  	_ =	shalt  }
0x6b: {  	_ =	shalt  }
0x6c: {  	_ =	shalt  }
0x6d: {  	_ =	shalt  }
0x6e: {  	_ =	shalt  }
0x6f: {  	_ =	shalt  }
0x70: {  	_ =	shalt  }
0x71: {  	_ =	shalt  }
0x72: {  	_ =	shalt  }
0x73: {  	_ =	shalt  }
0x74: {  	_ =	shalt  }
0x75: {  	_ =	shalt  }
0x76: {  	_ =	shalt  }
0x77: {  	_ =	shalt  }
0x78: {  	_ =	shalt  }
0x79: {  	_ =	shalt  }
0x7a: {  	_ =	shalt  }
0x7b: {  	_ =	shalt  }
0x7c: {  	_ =	shalt  }
0x7d: {  	_ =	shalt  }
0x7e: {  	_ =	shalt  }
0x7f: {  	_ =	shalt  }
0x80: {  	_ =	shalt  }
0x81: {  	_ =	shalt  }
0x82: {  	_ =	shalt  }
0x83: {  	_ =	shalt  }
0x84: {  	_ =	shalt  }
0x85: {  	_ =	shalt  }
0x86: {  	_ =	shalt  }
0x87: {  	_ =	shalt  }
.Lfunc_end0:
.L_simem_size_0:
called_computation_lowered:
.L_overlay_start_0:
0x88: {  	s2 =	sld [smem:$0x3FD9]  }
0x89: {  	s3 =	sld [smem:$0x3FFE];
	_ =	sdelay $0x1  }
0x8a: {  	s1 =	srdreg.scid  }
0x8b: {  	s0 =	sand.u32 $0x1, s1  }
0x8c: {  	s17 =	sshll.u32 s0, $0xA;
	s2 =	sadd.s32 s3, s2  }
0x8d: {  	s2 =	sadd.s32 s2, s17  }
0x8e: {  	[smem:$0x3FBB] =	sst s2  }
0x8f: {  	_ = 	snop  }
0x90: {  	s2 =	sld [smem:$0x3FD0];
	(tm) =	ssettm $0x1  }
0x91: {  	s18 =	sld [smem:$0x3FFB];
	_ =	sdelay $0x3  }
0x92: {  	_ =	strace s18  }
0x93: {  	s3 =	sld [smem:$0x3FFC];
	_ =	sdelay $0x3  }
0x94: {  	_ =	strace s3  }
0x95: {  	s3 =	sld [smem:$0x3FFD];
	_ =	sdelay $0x3  }
0x96: {  	_ =	strace s3  }
0x97: {  	_ =	strace $0x8FFFFFFF  }
0x98: {  	s19 =	sld [smem:$0x3FDB];
	_ =	sdelay $0x1  }
0x99: {  	s4 =	simm.s32 $_scs_section_size  }
0x9a: {  	s5 =	simm.s32 $_size__tile_overlayer_lowered;
	s6 =	simm.s32 $_tile_overlayer_lowered  }
0x9b: {  	s22 =	simm.s32 $0x1BFF;
	s21 =	sshll.u32 s6, $0x1;
	s3 =	sadd.s32 s4, s19  }
0x9c: {  	s7 =	simm.s32 $0x0;
	s20 =	sshll.u32 s5, $0x1;
	s5 =	sadd.s32 s21, s3  }
0x9d: {  	[timem:s7], [sflag:s22] =	dma.local [hbm:s5], s20  }
0x9e: {  	_ =	swait.ge [sflag:s22], s20  }
0x9f: {  	s4 =	ssub.s32 $0x0, s20;
	[sflag:s22] =	ssyncset.done $0x0  }
0xa0: {  	[sflag:s22] =	ssyncadd.s32 s4;
	_ =	sdelay $0x1  }
0xa1: {  	s23 =	simm.s32 $0x1B8B  }
0xa2: {  	_ =	swait.ge [sflag:s23], $0x1  }
0xa3: {  	[sflag:s23] =	ssyncset.done $0x0  }
0xa4: {  	s25 =	simm.s32 $0x1B8E;
	s24 =	sld [smem:$0x3FFE];
	[sflag:s23] =	ssyncadd.s32 $0xFFFFFFFF  }
0xa5: {  	s26 =	simm.s32 $execute0_lowered;
	[smem:$0x3FD2] =	sst s25  }
0xa6: {  	s5 =	sshll.u32 s26, $0x1;
	_ =	strace $0x80000046;
	[dreg:$0x1] =	wrdreg $0xFFFFFFFF  }
0xa7: {  	s28 =	simm.s32 $_size_execute0_lowered;
	s3 =	sadd.s32 s3, s5;
	[dreg:$0x0] =	wrdreg $0x0  }
0xa8: {  	s5 =	sshll.u32 s28, $0x1;
	[dreg:$0x2] =	wrdreg s3  }
0xa9: {  	[dreg:$0x3] =	wrdreg s5  }
0xaa: {  	[dreg:$0x4] =	wrdreg $0xC0  }
0xab: {  	_ =	task [dreg:s7], $0x5FFFF  }
0xac: {  	[dreg:$0x1] =	wrdreg $0xFFFFFFFF  }
0xad: {  	[dreg:$0x0] =	wrdreg $0x60  }
0xae: {  	[dreg:$0x2] =	wrdreg s24  }
0xaf: {  	[dreg:$0x3] =	wrdreg s2  }
0xb0: {  	[dreg:$0x4] =	wrdreg $0x9  }
0xb1: {  	_ =	task.clear_ibuf [dreg:s7], $0x5FFFF;
	_ =	strace $0x90000046  }
0xb2: {  	s29 =	simm.s32 $0x9;
	_ =	strace $0x80000048  }
0xb3: {  	_ =	swait.ge [sflag:s29], $0x1  }
0xb4: {  	[sflag:s29] =	ssyncadd.s32 $0xFFFFFFFF  }
0xb5: {  	_ =	strace $0x90000048  }
0xb6: {  	_ =	sfence  }
0xb7: {  	s30 =	sld [smem:$0x0];
	_ =	sdelay $0x2  }
0xb8: {  	s31 =	sshll.u32 s1, $0xD;
	s1 =	sshrl.u32 s1, $0x2  }
0xb9: {  	s3 =	sand.u32 $0x4000, s31;
	s1 =	sadd.s32 s1, s30  }
0xba: {  	s0 =	sor.u32 s3, s0;
	s1 =	sshll.u32 s1, $0x11  }
0xbb: {  	s0 =	sor.u32 s1, s0  }
0xbc: {  	s0 =	sadd.s32 $0x8F2B, s0  }
0xbd: {  	[sflag:s0] =	ssyncadd.remote.s32 $0x1  }
0xbe: {  	_ =	sfence.sel $0xFFFF  }
0xbf: {  	[dreg:$0x0] =	wrdreg $0xFFFFFFFF;
	(pc) =	sbr.abs _section_cstart, $3  }
0xc0: {  	[dreg:$0x1] =	wrdreg $0xFFFFFFFF  }
0xc1: {  	_ =	task.clear_ibuf [dreg:s7], $0x2FFFF;
	_ =	strace $0x9FFFFFFF  }
0xc2: {  	(tm) =	ssettm $0x7FFFFFFF  }
0xc3: {  	_ =	shalt  }
tec
execute0_lowered:
.L_overlay_start_1:
0x0: {  	(tag) =	ssettag $0x1  }
0x1: {  	s1 =	srdreg.scid;
	s0 =	stileid.u32  }
0x2: {  	s7 =	sand.u32 $0x1, s1;
	s3 =	sshll.u32 s0, $0x1  }
0x3: {  	s8 =	sor.u32 s7, s3  }
0x4: {  	p0 =	sgt.u32 s8, $0x18  }
.Ltmp0:
0x5: {  	_ = 	snop;
	(pc) =	sbr.rel @p0 .LBB2_5-.Ltmp0, $4  }
0x6: {  	s5 =	rddreg [dreg:$0x0]  }
0x7: {  	s6 =	rddreg [dreg:$0x1];
	s2 =	simm.s32 $0x0  }
0x8: {  	[smem:$0x7FF] =	sst s2  }
0x9: {  	s1 =	rddreg [dreg:$0x2];
	_ =	strace $0x80000047  }
0xa: {  	s9 =	smul.u32 $0x320, s8;
	s3 =	sadd.s32 $0x1A00, s5  }
0xb: {  	s4 =	sadd.s32 $0x1EE2, s5;
	s11 =	ssub.s32 $0x2, s7;
	s7 =	smul.u32 $0x190, s8  }
0xc: {  	s12 =	simm.s32 $0x4E20;
	s13 =	simm.s32 $0x8E30;
	s14 =	simm.s32 $0x0  }
0xd: {  	s31 =	sshrl.u32 s11, $0x1;
	s10 =	sadd.s32 s9, s5;
	s5 =	sadd.s32 $0x23C4, s5  }
0xe: {  	v0 =	vlaneseq.u32;
	s6 =	sadd.s32 s6, s9;
	s9 =	ssub.s32 s11, s31;
	s11 =	simm.s32 $0x2710  }
0xf: {  	v0 =	vmul.u32 $0x190, v0;
	s8 =	sadd.s32 $0x2A00, s10;
	s9 =	smax.u32 s9, $0x1;
	s10 =	simm.s32 $0x1  }
.LBB2_2:
0x10: {  	s15 =	simm.s32 $0x0  }
0x11: {  	[tilespmem:s15], [sflag:$0x1] =	stream.linear.gather [hbm4b:s3+s15], $0x2710, $0x38;
	[tilespmem:$0xA730] =	vst v63  }
0x12: {  	_ =	swait.ge [sflag:s10], $0x2710  }
0x13: {  	[sflag:s10] =	ssyncset.done $0x0  }
0x14: {  	[sflag:s10] =	ssyncadd.s32 $0xFFFFD8F0  }
0x15: {  	[tilespmem:s11], [sflag:$0x1] =	stream.linear.gather [hbm4b:s4+s15], $0x2710, $0x38;
	[tilespmem:$0xA730] =	vst v63  }
0x16: {  	_ =	swait.ge [sflag:s10], $0x2710  }
0x17: {  	[sflag:s10] =	ssyncset.done $0x0  }
0x18: {  	[sflag:s10] =	ssyncadd.s32 $0xFFFFD8F0  }
0x19: {  	[tilespmem:s12], [sflag:$0x1] =	stream.linear.gather [hbm4b:s5+s15], $0x2710, $0x38;
	[tilespmem:$0xA730] =	vst v63  }
0x1a: {  	_ =	swait.ge [sflag:s10], $0x2710  }
0x1b: {  	[sflag:s10] =	ssyncset.done $0x0  }
0x1c: {  	s16 =	simm.s32 $0x7530;
	[sflag:s10] =	ssyncadd.s32 $0xFFFFD8F0  }
0x1d: {  	[tilespmem:s16], [sflag:$0x1] =	stream.linear.gather [hbm4b:s6+s15], $0x1900, $0x38;
	[tilespmem:$0xA730] =	vst v63  }
0x1e: {  	_ =	swait.ge [sflag:s10], $0x1900  }
0x1f: {  	[sflag:s10] =	ssyncset.done $0x0  }
0x20: {  	[sflag:s10] =	ssyncadd.s32 $0xFFFFE700  }
0x21: {  	s17 =	sadd.s32 $0x0, s7;
	v1 =	vld [tilespmem:s16+$0x0]  }
0x22: {  	v2 =	vmov s17;
	s17 =	simm.s32 $0x1  }
.LBB2_3:
0x23: {  	p0 =	sne.s32 s17, $0x18F;
	_ =	sdelay $0x3  }
0x24: {  	v3 =	vld.idx.msk [tilespmem:v2+s11+$0x0], $0xffff  }
0x25: {  	v4 =	vld.idx.msk [tilespmem:v2+s2+$0x0], $0xffff  }
0x26: {  	v5 =	vld.idx.msk [tilespmem:v1+s2+$0x0], $0xffff  }
0x27: {  	v6 =	vld.idx.msk [tilespmem:v1+s11+$0x0], $0xffff  }
0x28: {  	v2 =	vld.idx.msk [tilespmem:v2+s12+$0x0], $0xffff  }
0x29: {  	v1 =	vld.idx.msk [tilespmem:v1+s12+$0x0], $0xffff;
	_ =	sdelay $0x3  }
0x2a: {  	v4 =	vsub.f32 v5, v4;
	v3 =	vsub.f32 v6, v3;
	_ =	sdelay $0x1  }
0x2b: {  	v1 =	vsub.f32 v1, v2;
	v2 =	vmul.f32 v4, v4;
	v3 =	vmul.f32 v3, v3;
	_ =	sdelay $0x1  }
0x2c: {  	v2 =	vadd.f32 v3, v2;
	v1 =	vmul.f32 v1, v1;
	_ =	sdelay $0x1  }
0x2d: {  	v1 =	vadd.f32 v1, v2;
	_ =	sdelay $0x1  }
0x2e: {  	v1 =	vadd.f32 $1.442695010e-11, v1;
	_ =	sdelay $0x1  }
0x2f: {  	v2 =	vshra.s32 v1, $0x1;
	v3 =	vmul.f32 $5.000000000e-01, v1  }
0x30: {  	v2 =	vsub.s32 $0x5F3759DF, v2  }
0x31: {  	v4 =	vmul.f32 v2, v3;
	_ =	sdelay $0x1  }
0x32: {  	v4 =	vmul.f32 v2, v4;
	_ =	sdelay $0x1  }
0x33: {  	v4 =	vsub.f32 $1.500000000e+00, v4;
	_ =	sdelay $0x1  }
0x34: {  	v2 =	vmul.f32 v2, v4;
	_ =	sdelay $0x1  }
0x35: {  	v4 =	vmul.f32 v2, v3;
	_ =	sdelay $0x1  }
0x36: {  	v4 =	vmul.f32 v4, v2;
	_ =	sdelay $0x1  }
0x37: {  	v4 =	vsub.f32 $1.500000000e+00, v4;
	_ =	sdelay $0x1  }
0x38: {  	v2 =	vmul.f32 v4, v2;
	_ =	sdelay $0x1  }
0x39: {  	v4 =	vmul.f32 v2, v3;
	_ =	sdelay $0x1  }
0x3a: {  	v4 =	vmul.f32 v4, v2;
	_ =	sdelay $0x1  }
0x3b: {  	v4 =	vsub.f32 $1.500000000e+00, v4;
	_ =	sdelay $0x1  }
0x3c: {  	v2 =	vmul.f32 v4, v2;
	_ =	sdelay $0x1  }
0x3d: {  	v3 =	vmul.f32 v2, v3;
	_ =	sdelay $0x1  }
0x3e: {  	v3 =	vmul.f32 v3, v2;
	_ =	sdelay $0x1  }
0x3f: {  	v3 =	vsub.f32 $1.500000000e+00, v3  }
0x40: {  	v4 =	vadd.s32 s15, v0;
	s15 =	smov.u32 s17  }
0x41: {  	v2 =	vmul.f32 v3, v2;
	_ =	sdelay $0x1  }
.Ltmp1:
0x42: {  	v1 =	vmul.f32 v2, v1;
	(pc) =	sbr.rel @p0 .LBB2_3-.Ltmp1, $4  }
0x43: {  	_ = 	snop  }
0x44: {  	s16 =	sadd.s32 $0x10, s16;
	[tilespmem:v4+s13+$0x0] =	vst.idx.msk $0xffff, v1  }
0x45: {  	s18 =	sadd.s32 s17, s7;
	v1 =	vld [tilespmem:s16+$0x0]  }
0x46: {  	s17 =	sadd.s32 $0x1, s17;
	v2 =	vmov s18  }
0x47: {  	_ =	sdelay $0x4  }
0x48: {  	v3 =	vld.idx.msk [tilespmem:v2+s11+$0x0], $0xffff  }
0x49: {  	v4 =	vld.idx.msk [tilespmem:v2+s2+$0x0], $0xffff  }
0x4a: {  	v5 =	vld.idx.msk [tilespmem:v1+s2+$0x0], $0xffff  }
0x4b: {  	v6 =	vld.idx.msk [tilespmem:v1+s11+$0x0], $0xffff  }
0x4c: {  	v2 =	vld.idx.msk [tilespmem:v2+s12+$0x0], $0xffff  }
0x4d: {  	v1 =	vld.idx.msk [tilespmem:v1+s12+$0x0], $0xffff;
	_ =	sdelay $0x2  }
0x4e: {  	v4 =	vsub.f32 v5, v4;
	v3 =	vsub.f32 v6, v3;
	_ =	sdelay $0x1  }
0x4f: {  	v1 =	vsub.f32 v1, v2;
	v2 =	vmul.f32 v4, v4;
	v3 =	vmul.f32 v3, v3;
	_ =	sdelay $0x1  }
0x50: {  	v1 =	vmul.f32 v1, v1;
	v2 =	vadd.f32 v3, v2;
	_ =	sdelay $0x1  }
0x51: {  	v1 =	vadd.f32 v1, v2;
	_ =	sdelay $0x1  }
0x52: {  	v1 =	vadd.f32 $1.442695010e-11, v1;
	_ =	sdelay $0x1  }
0x53: {  	v2 =	vshra.s32 v1, $0x1;
	v3 =	vmul.f32 $5.000000000e-01, v1  }
0x54: {  	v2 =	vsub.s32 $0x5F3759DF, v2  }
0x55: {  	v62 =	vmul.f32 v2, v3;
	_ =	sdelay $0x1  }
0x56: {  	v4 =	vmul.f32 v2, v62;
	_ =	sdelay $0x1  }
0x57: {  	v4 =	vsub.f32 $1.500000000e+00, v4;
	_ =	sdelay $0x1  }
0x58: {  	v2 =	vmul.f32 v2, v4;
	_ =	sdelay $0x1  }
0x59: {  	v4 =	vmul.f32 v2, v3;
	_ =	sdelay $0x1  }
0x5a: {  	v4 =	vmul.f32 v4, v2;
	_ =	sdelay $0x1  }
0x5b: {  	v4 =	vsub.f32 $1.500000000e+00, v4;
	_ =	sdelay $0x1  }
0x5c: {  	v2 =	vmul.f32 v4, v2;
	_ =	sdelay $0x1  }
0x5d: {  	v4 =	vmul.f32 v2, v3;
	_ =	sdelay $0x1  }
0x5e: {  	v4 =	vmul.f32 v4, v2;
	_ =	sdelay $0x1  }
0x5f: {  	v4 =	vsub.f32 $1.500000000e+00, v4;
	_ =	sdelay $0x1  }
0x60: {  	v2 =	vmul.f32 v4, v2;
	_ =	sdelay $0x1  }
0x61: {  	v3 =	vmul.f32 v2, v3;
	_ =	sdelay $0x1  }
0x62: {  	v3 =	vmul.f32 v3, v2;
	_ =	sdelay $0x1  }
0x63: {  	v3 =	vsub.f32 $1.500000000e+00, v3  }
0x64: {  	v63 =	vadd.s32 s15, v0  }
0x65: {  	v2 =	vmul.f32 v3, v2;
	_ =	sdelay $0x1  }
0x66: {  	s14 =	sadd.s32 $0x1, s14;
	v1 =	vmul.f32 v2, v1  }
0x67: {  	p0 =	sne.s32 s14, s9  }
.Ltmp2:
0x68: {  	[tilespmem:v63+s13+$0x0] =	vst.idx.msk $0xffff, v1;
	(pc) =	sbr.rel @p0 .LBB2_2-.Ltmp2, $4  }
0x69: {  	[hbm4b:s8+s2] =	stream.linear.scatter [tilespmem:s13], [sflag:$0x1], $0x1900, $0x38;
	[tilespmem:$0xA730] =	vst v63  }
0x6a: {  	_ =	swait.ge [sflag:s10], $0x1900  }
0x6b: {  	[sflag:s10] =	ssyncset.done $0x0  }
0x6c: {  	[sflag:s10] =	ssyncadd.s32 $0xFFFFE700  }
.LBB2_5:
0x6d: {  	_ =	sfence.sel $0x180000  }
0x6e: {  	[bflag:$0x0] =	sbarrier.arrive $0xFFFF  }
0x6f: {  	p0 =	sne.s32 s0, $0x0;
	_ =	strace $0x90000047  }
0x70: {  	s0 =	sadd.s32 @!p0 $0x100000, s1;
	[bflag:$0x2] =	sbarrier.arrive $0xFFFF  }
0x71: {  	[sflag:s0] =	ssyncadd.tile.s32 @!p0 $0x1;
	_ =	shalt  }
.Lfunc_end2:
_tile_overlayer_lowered:
.L_overlay_start_2:
0x72: {  	(tag) =	ssettag $0x2  }
0x73: {  	s0 =	rddreg [dreg:$0x0];
	s2 =	stileid.u32  }
0x74: {  	s1 =	rddreg [dreg:$0x1];
	p0 =	sne.s32 s2, $0x0  }
0x75: {  	s3 =	rddreg [dreg:$0x2];
	[bflag:$0x3] =	sbarrier.arrive $0xFFFF;
	s2 =	simm.s32 @!p0 $0x1C01  }
0x76: {  	[timem:s3], [sflag:s2] =	dma.local @!p0 [hbm:s0], s1  }
0x77: {  	s0 =	simm.s32 @!p0 $0x1  }
0x78: {  	_ =	swait.ge @!p0 [sflag:s0], s1  }
0x79: {  	s1 =	ssub.s32 @!p0 $0x0, s1;
	[sflag:s0] =	ssyncset.done @!p0 $0x0  }
0x7a: {  	[sflag:s0] =	ssyncadd.s32 @!p0 s1  }
0x7b: {  	[bflag:$0x3] =	sbarrier.arrive $0xFFFF  }
0x7c: {  	_ =	shalt  }

</sc_bundles>
